<compile_context>
chip_gen: v7x
topology: tpu7x:2x2x1
jax: 0.10.2.dev20260603
libtpu: 0.0.44.dev20260713+nightly
codegen_flags: <defaults>
</compile_context>

<pallas_src>
import jax
import jax.numpy as jnp
from jax.experimental import pallas as pl
from jax.experimental.pallas import tpu as pltpu

_L_COORD = 5.0
_L_OBJ = 1.0
_L_NOOBJ = 0.5


def _corners(x, y, w_off, h_off):
    w = w_off * w_off
    h = h_off * h_off
    x1 = x - w / 2.0
    y1 = y - h / 2.0
    x2 = x1 + w
    y2 = y1 + h
    return x1, y1, x2, y2


def _iou(t, p):
    tx1, ty1, tx2, ty2 = t
    px1, py1, px2, py2 = p
    ltx = jnp.maximum(tx1, px1)
    lty = jnp.maximum(ty1, py1)
    rbx = jnp.minimum(tx2, px2)
    rby = jnp.minimum(ty2, py2)
    iw = jnp.maximum(rbx - ltx, 0.0)
    ih = jnp.maximum(rby - lty, 0.0)
    inter = iw * ih
    area_t = (tx2 - tx1) * (ty2 - ty1)
    area_p = (px2 - px1) * (py2 - py1)
    return inter / (area_t + area_p - inter)


def _loss_kernel(pred_ref, meta_ref, out_ref,
                 neg_acc, resp_acc, off_acc, cls_acc):
    i = pl.program_id(0)
    n = pl.num_programs(0)

    @pl.when(i == 0)
    def _init():
        zero = jnp.zeros_like(neg_acc)
        neg_acc[...] = zero
        resp_acc[...] = zero
        off_acc[...] = zero
        cls_acc[...] = zero

    x = pred_ref[...]
    m = meta_ref[...]

    d = x - m
    sq = d * d

    cls_cell = jnp.sum(sq[10:30], axis=0)

    m4 = m[4]
    m9 = m[9]
    x4 = x[4]
    x9 = x[9]

    neg_cell = (jnp.where(m4 < 1.0, sq[4], 0.0)
                + jnp.where(m9 < 1.0, sq[9], 0.0))

    t1 = _corners(m[0], m[1], m[2], m[3])
    p1 = _corners(x[0], x[1], x[2], x[3])
    t2 = _corners(m[5], m[6], m[7], m[8])
    p2 = _corners(x[5], x[6], x[7], x[8])
    iou1 = _iou(t1, p1)
    iou2 = _iou(t2, p2)

    sel2 = iou2 > iou1
    resp_sel = jnp.where(sel2, x9, x4)
    iou_sel = jnp.where(sel2, iou2, iou1)
    resp_cell = (resp_sel - iou_sel) ** 2

    off1 = sq[0] + sq[1] + sq[2] + sq[3]
    off2 = sq[5] + sq[6] + sq[7] + sq[8]
    off_cell = jnp.where(sel2, off2, off1)

    keep = (m4 + m9) > 0.9
    zero = jnp.zeros_like(cls_cell)

    neg_acc[...] += neg_cell
    resp_acc[...] += jnp.where(keep, resp_cell, zero)
    off_acc[...] += jnp.where(keep, off_cell, zero)
    cls_acc[...] += jnp.where(keep, cls_cell, zero)

    @pl.when(i == n - 1)
    def _finalize():
        b_size = 128.0
        loss_neg = jnp.sum(neg_acc[...]) / b_size * _L_NOOBJ
        loss_resp = jnp.sum(resp_acc[...]) / b_size * _L_OBJ
        loss_off = jnp.sum(off_acc[...]) / b_size * _L_COORD
        loss_cls = jnp.sum(cls_acc[...]) / b_size
        out_ref[0] = loss_neg + loss_resp + loss_off + loss_cls
        out_ref[1] = loss_resp
        out_ref[2] = loss_neg
        out_ref[3] = loss_cls
        out_ref[4] = loss_off


def kernel(pred, meta):
    b, h, w, c = pred.shape
    cells = b * h * w
    lanes = 128
    groups = cells // lanes
    g_blk = 224
    grid = groups // g_blk

    pc = jax.lax.reshape(pred, (c, groups, lanes), dimensions=(3, 0, 1, 2))
    mc = jax.lax.reshape(meta, (c, groups, lanes), dimensions=(3, 0, 1, 2))

    out = pl.pallas_call(
        _loss_kernel,
        grid=(grid,),
        in_specs=[
            pl.BlockSpec((c, g_blk, lanes), lambda i: (0, i, 0)),
            pl.BlockSpec((c, g_blk, lanes), lambda i: (0, i, 0)),
        ],
        out_specs=pl.BlockSpec(memory_space=pltpu.SMEM),
        out_shape=jax.ShapeDtypeStruct((5,), jnp.float32),
        scratch_shapes=[pltpu.VMEM((g_blk, lanes), jnp.float32)
                        for _ in range(4)],
    )(pc, mc)
    return (out[0].reshape(()), out[1].reshape(()), out[2].reshape(()),
            out[3].reshape(()), out[4].reshape(()))

# --- scband reference (transcript-rebuilt; emitter-appended) ---
"""Pipeline reference for scband-yolov1-loss-36103495090632 (READ-ONLY COPY).

The authoritative reference and input builder live on the scoring server;
editing this copy changes nothing except your own understanding.
"""

import jax, jax.numpy as jnp
import numpy as np

L_COORD = 5.0
L_OBJ = 1.0
L_NOOBJ = 0.5


def offset2box(box):
    w = box[:, 2] * box[:, 2]
    h = box[:, 3] * box[:, 3]
    x1 = box[:, 0] - w / 2.0
    y1 = box[:, 1] - h / 2.0
    x2 = x1 + w
    y2 = y1 + h
    return jnp.stack([x1, y1, x2, y2], axis=1)


def compute_iou(box1, box2):
    lt = jnp.maximum(box1[:, :2], box2[:, :2])
    rb = jnp.minimum(box1[:, 2:], box2[:, 2:])
    wh = jnp.maximum(rb - lt, 0.0)
    inter = wh[:, 0] * wh[:, 1]
    area1 = (box1[:, 2] - box1[:, 0]) * (box1[:, 3] - box1[:, 1])
    area2 = (box2[:, 2] - box2[:, 0]) * (box2[:, 3] - box2[:, 1])
    return inter / (area1 + area2 - inter)


def get_kp_batch(heatmap, conf, peak_thresh):
    # heatmap: [B, 1, H, W]; returns x, y, score, batch index arrays over the
    # full grid plus a keep mask marking the peaks (fixed-shape selection).
    b, c, h, w = heatmap.shape
    flat = heatmap.reshape(-1)
    keep = (flat > conf) & (flat > peak_thresh)
    inds = jnp.arange(flat.shape[0])
    scores = flat
    hw = h * w
    b_list = inds // hw
    rem = inds % hw
    y_list = rem // w
    x_list = rem % w
    return x_list, y_list, scores, b_list, keep


def setup_inputs(seed: int = 0):
    key = jax.random.key(seed)
    k1, k2 = jax.random.split(key)
    pred = jax.random.normal(k1, (128, 56, 56, 30), dtype=jnp.float32)
    meta = jax.random.uniform(k2, (128, 56, 56, 30), dtype=jnp.float32)
    return {"pred": pred, "meta": meta}


def reference(pred, meta):
    pred = jnp.transpose(pred, (0, 3, 1, 2))
    meta = jnp.transpose(meta, (0, 3, 1, 2))
    pred_cls = pred[:, 10:, :, :]
    pred_response = jnp.stack([pred[:, 4, :, :], pred[:, 9, :, :]], axis=1)
    pred_bboxes = jnp.concatenate([pred[:, 0:4, :, :], pred[:, 5:9, :, :]], axis=1)
    label_cls = meta[:, 10:, :, :]
    label_response = jnp.stack([meta[:, 4, :, :], meta[:, 9, :, :]], axis=1)
    label_bboxes = jnp.concatenate([meta[:, 0:4, :, :], meta[:, 5:9, :, :]], axis=1)
    B_size = pred_cls.shape[0]
    bbox_num = pred_response.shape[1]
    tmp_response = jnp.sum(label_response, axis=1, keepdims=True)
    x_list, y_list, c_list, b_list, keep = get_kp_batch(tmp_response, 0.5, 0.9)
    t_responses = label_response[b_list, :, y_list, x_list]
    p_responses = pred_response[b_list, :, y_list, x_list]
    t_boxes = label_bboxes[b_list, :, y_list, x_list]
    p_boxes = pred_bboxes[b_list, :, y_list, x_list]
    t_classes = label_cls[b_list, :, y_list, x_list]
    p_classes = pred_cls[b_list, :, y_list, x_list]
    per_cls = jnp.sum((p_classes - t_classes) ** 2, axis=1)
    loss_pos_cls = jnp.sum(jnp.where(keep, per_cls, 0.0))
    t_offset = t_boxes.reshape(-1, 4)
    p_offset = p_boxes.reshape(-1, 4)
    t_box = offset2box(t_offset)
    p_box = offset2box(p_offset)
    iou = compute_iou(t_box, p_box).reshape(-1, bbox_num)
    idx = jnp.argmax(iou, axis=1)
    resp_sel = jnp.take_along_axis(p_responses, idx[:, None], axis=1)
    iou_sel = jnp.take_along_axis(iou, idx[:, None], axis=1)
    per_resp = (resp_sel - iou_sel)[:, 0] ** 2
    loss_pos_response = jnp.sum(jnp.where(keep, per_resp, 0.0))
    p_boxes3 = p_boxes.reshape(-1, bbox_num, 4)
    t_boxes3 = t_boxes.reshape(-1, bbox_num, 4)
    idx3 = jnp.broadcast_to(idx[:, None, None], (idx.shape[0], 1, 4))
    p_sel = jnp.take_along_axis(p_boxes3, idx3, axis=1)
    t_sel = jnp.take_along_axis(t_boxes3, idx3, axis=1)
    per_off = jnp.sum((p_sel - t_sel) ** 2, axis=(1, 2))
    loss_pos_offset = jnp.sum(jnp.where(keep, per_off, 0.0))
    neg_mask = label_response < 1.0
    loss_neg_response = jnp.sum(jnp.where(neg_mask, (pred_response - label_response) ** 2, 0.0)) / B_size * L_NOOBJ
    loss_pos_response = loss_pos_response / B_size * L_OBJ
    loss_pos_offset = loss_pos_offset / B_size * L_COORD
    loss_pos_cls = loss_pos_cls / B_size
    loss_sum = loss_neg_response + loss_pos_response + loss_pos_offset + loss_pos_cls
    return (loss_sum, loss_pos_response, loss_neg_response, loss_pos_cls, loss_pos_offset)

if __name__ == "__main__":
    import jax
    _d = setup_inputs()
    print(jax.jit(kernel)(*tuple(_d.values())))

</pallas_src>

<mosaic_0001>
module attributes {stable_mosaic.version = 14 : i64} {
  func.func @_loss_kernel(%arg0: i32, %arg1: memref<30x224x128xf32, #tpu.memory_space<vmem>>, %arg2: memref<30x224x128xf32, #tpu.memory_space<vmem>>, %arg3: memref<5xf32, #tpu.memory_space<smem>>, %arg4: memref<224x128xf32, #tpu.memory_space<vmem>>, %arg5: memref<224x128xf32, #tpu.memory_space<vmem>>, %arg6: memref<224x128xf32, #tpu.memory_space<vmem>>, %arg7: memref<224x128xf32, #tpu.memory_space<vmem>>) attributes {dimension_semantics = [#tpu.dimension_semantics<arbitrary>], iteration_bounds = array<i64: 14>, scalar_prefetch = 0 : i64, scratch_operands = 4 : i64, tpu.core_type = #tpu.core_type<tc>, window_params = [{transform_indices = @transform_0, window_bounds = array<i64: 30, 224, 128>}, {transform_indices = @transform_1, window_bounds = array<i64: 30, 224, 128>}, {transform_indices = @transform_2, window_bounds = array<i64: 5>}]} {
    %eq3A = arith.constant 0 : i32
    %eq3A_0 = arith.cmpi eq, %arg0, %eq3A : i32
    %convert_element_type3A = arith.extui %eq3A_0 : i1 to i32
    %cond3A = arith.constant 0 : i32
    %cond3A_1 = arith.cmpi ne, %convert_element_type3A, %cond3A : i32
    scf.if %cond3A_1 {
      %broadcast_in_dim3A_217 = arith.constant 0.000000e+00 : f32
      %broadcast_in_dim3A_218 = vector.broadcast %broadcast_in_dim3A_217 : f32 to vector<224x128xf32>
      %swap3A_219 = arith.constant 0 : index
      %swap3A_220 = arith.constant 0 : index
      %swap3A_221 = vector.load %arg4[%swap3A_219, %swap3A_220] : memref<224x128xf32, #tpu.memory_space<vmem>>, vector<224x128xf32>
      tpu.vector_store %arg4[%swap3A_219, %swap3A_220], %broadcast_in_dim3A_218 {strides = array<i32>} : memref<224x128xf32, #tpu.memory_space<vmem>>, vector<224x128xf32>,
      %swap3A_222 = arith.constant 0 : index
      %swap3A_223 = arith.constant 0 : index
      %swap3A_224 = vector.load %arg5[%swap3A_222, %swap3A_223] : memref<224x128xf32, #tpu.memory_space<vmem>>, vector<224x128xf32>
      tpu.vector_store %arg5[%swap3A_222, %swap3A_223], %broadcast_in_dim3A_218 {strides = array<i32>} : memref<224x128xf32, #tpu.memory_space<vmem>>, vector<224x128xf32>,
      %swap3A_225 = arith.constant 0 : index
      %swap3A_226 = arith.constant 0 : index
      %swap3A_227 = vector.load %arg6[%swap3A_225, %swap3A_226] : memref<224x128xf32, #tpu.memory_space<vmem>>, vector<224x128xf32>
      tpu.vector_store %arg6[%swap3A_225, %swap3A_226], %broadcast_in_dim3A_218 {strides = array<i32>} : memref<224x128xf32, #tpu.memory_space<vmem>>, vector<224x128xf32>,
      %swap3A_228 = arith.constant 0 : index
      %swap3A_229 = arith.constant 0 : index
      %swap3A_230 = vector.load %arg7[%swap3A_228, %swap3A_229] : memref<224x128xf32, #tpu.memory_space<vmem>>, vector<224x128xf32>
      tpu.vector_store %arg7[%swap3A_228, %swap3A_229], %broadcast_in_dim3A_218 {strides = array<i32>} : memref<224x128xf32, #tpu.memory_space<vmem>>, vector<224x128xf32>,
    } else {
    }
    %get3A = arith.constant 0 : index
    %get3A_2 = arith.constant 0 : index
    %get3A_3 = arith.constant 0 : index
    %get3A_4 = vector.load %arg1[%get3A, %get3A_2, %get3A_3] : memref<30x224x128xf32, #tpu.memory_space<vmem>>, vector<30x224x128xf32>
    %get3A_5 = arith.constant 0 : index
    %get3A_6 = arith.constant 0 : index
    %get3A_7 = arith.constant 0 : index
    %get3A_8 = vector.load %arg2[%get3A_5, %get3A_6, %get3A_7] : memref<30x224x128xf32, #tpu.memory_space<vmem>>, vector<30x224x128xf32>
    %sub3A = arith.subf %get3A_4, %get3A_8 : vector<30x224x128xf32>
    %mul3A = arith.mulf %sub3A, %sub3A : vector<30x224x128xf32>
    %slice3A = vector.extract_strided_slice %mul3A {offsets = [10, 0, 0], sizes = [20, 224, 128], strides = [1, 1, 1]} : vector<30x224x128xf32> to vector<20x224x128xf32>
    %reduce_sum3A = arith.constant dense<0.000000e+00> : vector<224x128xf32>
    %reduce_sum3A_9 = vector.multi_reduction <add>, %slice3A, %reduce_sum3A [0] : vector<20x224x128xf32> to vector<224x128xf32>
    %slice3A_10 = vector.extract_strided_slice %get3A_8 {offsets = [4, 0, 0], sizes = [1, 224, 128], strides = [1, 1, 1]} : vector<30x224x128xf32> to vector<1x224x128xf32>
    %squeeze3A = vector.shape_cast %slice3A_10 : vector<1x224x128xf32> to vector<224x128xf32>
    %slice3A_11 = vector.extract_strided_slice %get3A_8 {offsets = [9, 0, 0], sizes = [1, 224, 128], strides = [1, 1, 1]} : vector<30x224x128xf32> to vector<1x224x128xf32>
    %squeeze3A_12 = vector.shape_cast %slice3A_11 : vector<1x224x128xf32> to vector<224x128xf32>
    %slice3A_13 = vector.extract_strided_slice %get3A_4 {offsets = [4, 0, 0], sizes = [1, 224, 128], strides = [1, 1, 1]} : vector<30x224x128xf32> to vector<1x224x128xf32>
    %squeeze3A_14 = vector.shape_cast %slice3A_13 : vector<1x224x128xf32> to vector<224x128xf32>
    %slice3A_15 = vector.extract_strided_slice %get3A_4 {offsets = [9, 0, 0], sizes = [1, 224, 128], strides = [1, 1, 1]} : vector<30x224x128xf32> to vector<1x224x128xf32>
    %squeeze3A_16 = vector.shape_cast %slice3A_15 : vector<1x224x128xf32> to vector<224x128xf32>
    %lt3A = arith.constant 1.000000e+00 : f32
    %lt3A_17 = vector.broadcast %lt3A : f32 to vector<224x128xf32>
    %lt3A_18 = arith.cmpf olt, %squeeze3A, %lt3A_17 : vector<224x128xf32>
    %slice3A_19 = vector.extract_strided_slice %mul3A {offsets = [4, 0, 0], sizes = [1, 224, 128], strides = [1, 1, 1]} : vector<30x224x128xf32> to vector<1x224x128xf32>
    %squeeze3A_20 = vector.shape_cast %slice3A_19 : vector<1x224x128xf32> to vector<224x128xf32>
    %jit3A = arith.constant 0.000000e+00 : f32
    %broadcast_in_dim3A = vector.broadcast %jit3A : f32 to vector<224x128xf32>
    %select_n3A = arith.select %lt3A_18, %squeeze3A_20, %broadcast_in_dim3A : vector<224x128xi1>, vector<224x128xf32>
    %lt3A_21 = arith.constant 1.000000e+00 : f32
    %lt3A_22 = vector.broadcast %lt3A_21 : f32 to vector<224x128xf32>
    %lt3A_23 = arith.cmpf olt, %squeeze3A_12, %lt3A_22 : vector<224x128xf32>
    %slice3A_24 = vector.extract_strided_slice %mul3A {offsets = [9, 0, 0], sizes = [1, 224, 128], strides = [1, 1, 1]} : vector<30x224x128xf32> to vector<1x224x128xf32>
    %squeeze3A_25 = vector.shape_cast %slice3A_24 : vector<1x224x128xf32> to vector<224x128xf32>
    %jit3A_26 = arith.constant 0.000000e+00 : f32
    %broadcast_in_dim3A_27 = vector.broadcast %jit3A_26 : f32 to vector<224x128xf32>
    %select_n3A_28 = arith.select %lt3A_23, %squeeze3A_25, %broadcast_in_dim3A_27 : vector<224x128xi1>, vector<224x128xf32>
    %add3A = arith.addf %select_n3A, %select_n3A_28 : vector<224x128xf32>
    %slice3A_29 = vector.extract_strided_slice %get3A_8 {offsets = [0, 0, 0], sizes = [1, 224, 128], strides = [1, 1, 1]} : vector<30x224x128xf32> to vector<1x224x128xf32>
    %squeeze3A_30 = vector.shape_cast %slice3A_29 : vector<1x224x128xf32> to vector<224x128xf32>
    %slice3A_31 = vector.extract_strided_slice %get3A_8 {offsets = [1, 0, 0], sizes = [1, 224, 128], strides = [1, 1, 1]} : vector<30x224x128xf32> to vector<1x224x128xf32>
    %squeeze3A_32 = vector.shape_cast %slice3A_31 : vector<1x224x128xf32> to vector<224x128xf32>
    %slice3A_33 = vector.extract_strided_slice %get3A_8 {offsets = [2, 0, 0], sizes = [1, 224, 128], strides = [1, 1, 1]} : vector<30x224x128xf32> to vector<1x224x128xf32>
    %squeeze3A_34 = vector.shape_cast %slice3A_33 : vector<1x224x128xf32> to vector<224x128xf32>
    %slice3A_35 = vector.extract_strided_slice %get3A_8 {offsets = [3, 0, 0], sizes = [1, 224, 128], strides = [1, 1, 1]} : vector<30x224x128xf32> to vector<1x224x128xf32>
    %squeeze3A_36 = vector.shape_cast %slice3A_35 : vector<1x224x128xf32> to vector<224x128xf32>
    %mul3A_37 = arith.mulf %squeeze3A_34, %squeeze3A_34 : vector<224x128xf32>
    %mul3A_38 = arith.mulf %squeeze3A_36, %squeeze3A_36 : vector<224x128xf32>
    %div3A = arith.constant 2.000000e+00 : f32
    %div3A_39 = vector.broadcast %div3A : f32 to vector<224x128xf32>
    %div3A_40 = arith.divf %mul3A_37, %div3A_39 : vector<224x128xf32>
    %sub3A_41 = arith.subf %squeeze3A_30, %div3A_40 : vector<224x128xf32>
    %div3A_42 = arith.constant 2.000000e+00 : f32
    %div3A_43 = vector.broadcast %div3A_42 : f32 to vector<224x128xf32>
    %div3A_44 = arith.divf %mul3A_38, %div3A_43 : vector<224x128xf32>
    %sub3A_45 = arith.subf %squeeze3A_32, %div3A_44 : vector<224x128xf32>
    %add3A_46 = arith.addf %sub3A_41, %mul3A_37 : vector<224x128xf32>
    %add3A_47 = arith.addf %sub3A_45, %mul3A_38 : vector<224x128xf32>
    %slice3A_48 = vector.extract_strided_slice %get3A_4 {offsets = [0, 0, 0], sizes = [1, 224, 128], strides = [1, 1, 1]} : vector<30x224x128xf32> to vector<1x224x128xf32>
    %squeeze3A_49 = vector.shape_cast %slice3A_48 : vector<1x224x128xf32> to vector<224x128xf32>
    %slice3A_50 = vector.extract_strided_slice %get3A_4 {offsets = [1, 0, 0], sizes = [1, 224, 128], strides = [1, 1, 1]} : vector<30x224x128xf32> to vector<1x224x128xf32>
    %squeeze3A_51 = vector.shape_cast %slice3A_50 : vector<1x224x128xf32> to vector<224x128xf32>
    %slice3A_52 = vector.extract_strided_slice %get3A_4 {offsets = [2, 0, 0], sizes = [1, 224, 128], strides = [1, 1, 1]} : vector<30x224x128xf32> to vector<1x224x128xf32>
    %squeeze3A_53 = vector.shape_cast %slice3A_52 : vector<1x224x128xf32> to vector<224x128xf32>
    %slice3A_54 = vector.extract_strided_slice %get3A_4 {offsets = [3, 0, 0], sizes = [1, 224, 128], strides = [1, 1, 1]} : vector<30x224x128xf32> to vector<1x224x128xf32>
    %squeeze3A_55 = vector.shape_cast %slice3A_54 : vector<1x224x128xf32> to vector<224x128xf32>
    %mul3A_56 = arith.mulf %squeeze3A_53, %squeeze3A_53 : vector<224x128xf32>
    %mul3A_57 = arith.mulf %squeeze3A_55, %squeeze3A_55 : vector<224x128xf32>
    %div3A_58 = arith.constant 2.000000e+00 : f32
    %div3A_59 = vector.broadcast %div3A_58 : f32 to vector<224x128xf32>
    %div3A_60 = arith.divf %mul3A_56, %div3A_59 : vector<224x128xf32>
    %sub3A_61 = arith.subf %squeeze3A_49, %div3A_60 : vector<224x128xf32>
    %div3A_62 = arith.constant 2.000000e+00 : f32
    %div3A_63 = vector.broadcast %div3A_62 : f32 to vector<224x128xf32>
    %div3A_64 = arith.divf %mul3A_57, %div3A_63 : vector<224x128xf32>
    %sub3A_65 = arith.subf %squeeze3A_51, %div3A_64 : vector<224x128xf32>
    %add3A_66 = arith.addf %sub3A_61, %mul3A_56 : vector<224x128xf32>
    %add3A_67 = arith.addf %sub3A_65, %mul3A_57 : vector<224x128xf32>
    %slice3A_68 = vector.extract_strided_slice %get3A_8 {offsets = [5, 0, 0], sizes = [1, 224, 128], strides = [1, 1, 1]} : vector<30x224x128xf32> to vector<1x224x128xf32>
    %squeeze3A_69 = vector.shape_cast %slice3A_68 : vector<1x224x128xf32> to vector<224x128xf32>
    %slice3A_70 = vector.extract_strided_slice %get3A_8 {offsets = [6, 0, 0], sizes = [1, 224, 128], strides = [1, 1, 1]} : vector<30x224x128xf32> to vector<1x224x128xf32>
    %squeeze3A_71 = vector.shape_cast %slice3A_70 : vector<1x224x128xf32> to vector<224x128xf32>
    %slice3A_72 = vector.extract_strided_slice %get3A_8 {offsets = [7, 0, 0], sizes = [1, 224, 128], strides = [1, 1, 1]} : vector<30x224x128xf32> to vector<1x224x128xf32>
    %squeeze3A_73 = vector.shape_cast %slice3A_72 : vector<1x224x128xf32> to vector<224x128xf32>
    %slice3A_74 = vector.extract_strided_slice %get3A_8 {offsets = [8, 0, 0], sizes = [1, 224, 128], strides = [1, 1, 1]} : vector<30x224x128xf32> to vector<1x224x128xf32>
    %squeeze3A_75 = vector.shape_cast %slice3A_74 : vector<1x224x128xf32> to vector<224x128xf32>
    %mul3A_76 = arith.mulf %squeeze3A_73, %squeeze3A_73 : vector<224x128xf32>
    %mul3A_77 = arith.mulf %squeeze3A_75, %squeeze3A_75 : vector<224x128xf32>
    %div3A_78 = arith.constant 2.000000e+00 : f32
    %div3A_79 = vector.broadcast %div3A_78 : f32 to vector<224x128xf32>
    %div3A_80 = arith.divf %mul3A_76, %div3A_79 : vector<224x128xf32>
    %sub3A_81 = arith.subf %squeeze3A_69, %div3A_80 : vector<224x128xf32>
    %div3A_82 = arith.constant 2.000000e+00 : f32
    %div3A_83 = vector.broadcast %div3A_82 : f32 to vector<224x128xf32>
    %div3A_84 = arith.divf %mul3A_77, %div3A_83 : vector<224x128xf32>
    %sub3A_85 = arith.subf %squeeze3A_71, %div3A_84 : vector<224x128xf32>
    %add3A_86 = arith.addf %sub3A_81, %mul3A_76 : vector<224x128xf32>
    %add3A_87 = arith.addf %sub3A_85, %mul3A_77 : vector<224x128xf32>
    %slice3A_88 = vector.extract_strided_slice %get3A_4 {offsets = [5, 0, 0], sizes = [1, 224, 128], strides = [1, 1, 1]} : vector<30x224x128xf32> to vector<1x224x128xf32>
    %squeeze3A_89 = vector.shape_cast %slice3A_88 : vector<1x224x128xf32> to vector<224x128xf32>
    %slice3A_90 = vector.extract_strided_slice %get3A_4 {offsets = [6, 0, 0], sizes = [1, 224, 128], strides = [1, 1, 1]} : vector<30x224x128xf32> to vector<1x224x128xf32>
    %squeeze3A_91 = vector.shape_cast %slice3A_90 : vector<1x224x128xf32> to vector<224x128xf32>
    %slice3A_92 = vector.extract_strided_slice %get3A_4 {offsets = [7, 0, 0], sizes = [1, 224, 128], strides = [1, 1, 1]} : vector<30x224x128xf32> to vector<1x224x128xf32>
    %squeeze3A_93 = vector.shape_cast %slice3A_92 : vector<1x224x128xf32> to vector<224x128xf32>
    %slice3A_94 = vector.extract_strided_slice %get3A_4 {offsets = [8, 0, 0], sizes = [1, 224, 128], strides = [1, 1, 1]} : vector<30x224x128xf32> to vector<1x224x128xf32>
    %squeeze3A_95 = vector.shape_cast %slice3A_94 : vector<1x224x128xf32> to vector<224x128xf32>
    %mul3A_96 = arith.mulf %squeeze3A_93, %squeeze3A_93 : vector<224x128xf32>
    %mul3A_97 = arith.mulf %squeeze3A_95, %squeeze3A_95 : vector<224x128xf32>
    %div3A_98 = arith.constant 2.000000e+00 : f32
    %div3A_99 = vector.broadcast %div3A_98 : f32 to vector<224x128xf32>
    %div3A_100 = arith.divf %mul3A_96, %div3A_99 : vector<224x128xf32>
    %sub3A_101 = arith.subf %squeeze3A_89, %div3A_100 : vector<224x128xf32>
    %div3A_102 = arith.constant 2.000000e+00 : f32
    %div3A_103 = vector.broadcast %div3A_102 : f32 to vector<224x128xf32>
    %div3A_104 = arith.divf %mul3A_97, %div3A_103 : vector<224x128xf32>
    %sub3A_105 = arith.subf %squeeze3A_91, %div3A_104 : vector<224x128xf32>
    %add3A_106 = arith.addf %sub3A_101, %mul3A_96 : vector<224x128xf32>
    %add3A_107 = arith.addf %sub3A_105, %mul3A_97 : vector<224x128xf32>
    %max3A = arith.maximumf %sub3A_41, %sub3A_61 : vector<224x128xf32>
    %max3A_108 = arith.maximumf %sub3A_45, %sub3A_65 : vector<224x128xf32>
    %min3A = arith.minimumf %add3A_46, %add3A_66 : vector<224x128xf32>
    %min3A_109 = arith.minimumf %add3A_47, %add3A_67 : vector<224x128xf32>
    %sub3A_110 = arith.subf %min3A, %max3A : vector<224x128xf32>
    %max3A_111 = arith.constant 0.000000e+00 : f32
    %max3A_112 = vector.broadcast %max3A_111 : f32 to vector<224x128xf32>
    %max3A_113 = arith.maximumf %sub3A_110, %max3A_112 : vector<224x128xf32>
    %sub3A_114 = arith.subf %min3A_109, %max3A_108 : vector<224x128xf32>
    %max3A_115 = arith.constant 0.000000e+00 : f32
    %max3A_116 = vector.broadcast %max3A_115 : f32 to vector<224x128xf32>
    %max3A_117 = arith.maximumf %sub3A_114, %max3A_116 : vector<224x128xf32>
    %mul3A_118 = arith.mulf %max3A_113, %max3A_117 : vector<224x128xf32>
    %sub3A_119 = arith.subf %add3A_46, %sub3A_41 : vector<224x128xf32>
    %sub3A_120 = arith.subf %add3A_47, %sub3A_45 : vector<224x128xf32>
    %mul3A_121 = arith.mulf %sub3A_119, %sub3A_120 : vector<224x128xf32>
    %sub3A_122 = arith.subf %add3A_66, %sub3A_61 : vector<224x128xf32>
    %sub3A_123 = arith.subf %add3A_67, %sub3A_65 : vector<224x128xf32>
    %mul3A_124 = arith.mulf %sub3A_122, %sub3A_123 : vector<224x128xf32>
    %add3A_125 = arith.addf %mul3A_121, %mul3A_124 : vector<224x128xf32>
    %sub3A_126 = arith.subf %add3A_125, %mul3A_118 : vector<224x128xf32>
    %div3A_127 = arith.divf %mul3A_118, %sub3A_126 : vector<224x128xf32>
    %max3A_128 = arith.maximumf %sub3A_81, %sub3A_101 : vector<224x128xf32>
    %max3A_129 = arith.maximumf %sub3A_85, %sub3A_105 : vector<224x128xf32>
    %min3A_130 = arith.minimumf %add3A_86, %add3A_106 : vector<224x128xf32>
    %min3A_131 = arith.minimumf %add3A_87, %add3A_107 : vector<224x128xf32>
    %sub3A_132 = arith.subf %min3A_130, %max3A_128 : vector<224x128xf32>
    %max3A_133 = arith.constant 0.000000e+00 : f32
    %max3A_134 = vector.broadcast %max3A_133 : f32 to vector<224x128xf32>
    %max3A_135 = arith.maximumf %sub3A_132, %max3A_134 : vector<224x128xf32>
    %sub3A_136 = arith.subf %min3A_131, %max3A_129 : vector<224x128xf32>
    %max3A_137 = arith.constant 0.000000e+00 : f32
    %max3A_138 = vector.broadcast %max3A_137 : f32 to vector<224x128xf32>
    %max3A_139 = arith.maximumf %sub3A_136, %max3A_138 : vector<224x128xf32>
    %mul3A_140 = arith.mulf %max3A_135, %max3A_139 : vector<224x128xf32>
    %sub3A_141 = arith.subf %add3A_86, %sub3A_81 : vector<224x128xf32>
    %sub3A_142 = arith.subf %add3A_87, %sub3A_85 : vector<224x128xf32>
    %mul3A_143 = arith.mulf %sub3A_141, %sub3A_142 : vector<224x128xf32>
    %sub3A_144 = arith.subf %add3A_106, %sub3A_101 : vector<224x128xf32>
    %sub3A_145 = arith.subf %add3A_107, %sub3A_105 : vector<224x128xf32>
    %mul3A_146 = arith.mulf %sub3A_144, %sub3A_145 : vector<224x128xf32>
    %add3A_147 = arith.addf %mul3A_143, %mul3A_146 : vector<224x128xf32>
    %sub3A_148 = arith.subf %add3A_147, %mul3A_140 : vector<224x128xf32>
    %div3A_149 = arith.divf %mul3A_140, %sub3A_148 : vector<224x128xf32>
    %gt3A = arith.cmpf ogt, %div3A_149, %div3A_127 : vector<224x128xf32>
    %select_n3A_150 = arith.select %gt3A, %squeeze3A_16, %squeeze3A_14 : vector<224x128xi1>, vector<224x128xf32>
    %select_n3A_151 = arith.select %gt3A, %div3A_149, %div3A_127 : vector<224x128xi1>, vector<224x128xf32>
    %sub3A_152 = arith.subf %select_n3A_150, %select_n3A_151 : vector<224x128xf32>
    %integer_pow3A = arith.mulf %sub3A_152, %sub3A_152 : vector<224x128xf32>
    %slice3A_153 = vector.extract_strided_slice %mul3A {offsets = [0, 0, 0], sizes = [1, 224, 128], strides = [1, 1, 1]} : vector<30x224x128xf32> to vector<1x224x128xf32>
    %squeeze3A_154 = vector.shape_cast %slice3A_153 : vector<1x224x128xf32> to vector<224x128xf32>
    %slice3A_155 = vector.extract_strided_slice %mul3A {offsets = [1, 0, 0], sizes = [1, 224, 128], strides = [1, 1, 1]} : vector<30x224x128xf32> to vector<1x224x128xf32>
    %squeeze3A_156 = vector.shape_cast %slice3A_155 : vector<1x224x128xf32> to vector<224x128xf32>
    %add3A_157 = arith.addf %squeeze3A_154, %squeeze3A_156 : vector<224x128xf32>
    %slice3A_158 = vector.extract_strided_slice %mul3A {offsets = [2, 0, 0], sizes = [1, 224, 128], strides = [1, 1, 1]} : vector<30x224x128xf32> to vector<1x224x128xf32>
    %squeeze3A_159 = vector.shape_cast %slice3A_158 : vector<1x224x128xf32> to vector<224x128xf32>
    %add3A_160 = arith.addf %add3A_157, %squeeze3A_159 : vector<224x128xf32>
    %slice3A_161 = vector.extract_strided_slice %mul3A {offsets = [3, 0, 0], sizes = [1, 224, 128], strides = [1, 1, 1]} : vector<30x224x128xf32> to vector<1x224x128xf32>
    %squeeze3A_162 = vector.shape_cast %slice3A_161 : vector<1x224x128xf32> to vector<224x128xf32>
    %add3A_163 = arith.addf %add3A_160, %squeeze3A_162 : vector<224x128xf32>
    %slice3A_164 = vector.extract_strided_slice %mul3A {offsets = [5, 0, 0], sizes = [1, 224, 128], strides = [1, 1, 1]} : vector<30x224x128xf32> to vector<1x224x128xf32>
    %squeeze3A_165 = vector.shape_cast %slice3A_164 : vector<1x224x128xf32> to vector<224x128xf32>
    %slice3A_166 = vector.extract_strided_slice %mul3A {offsets = [6, 0, 0], sizes = [1, 224, 128], strides = [1, 1, 1]} : vector<30x224x128xf32> to vector<1x224x128xf32>
    %squeeze3A_167 = vector.shape_cast %slice3A_166 : vector<1x224x128xf32> to vector<224x128xf32>
    %add3A_168 = arith.addf %squeeze3A_165, %squeeze3A_167 : vector<224x128xf32>
    %slice3A_169 = vector.extract_strided_slice %mul3A {offsets = [7, 0, 0], sizes = [1, 224, 128], strides = [1, 1, 1]} : vector<30x224x128xf32> to vector<1x224x128xf32>
    %squeeze3A_170 = vector.shape_cast %slice3A_169 : vector<1x224x128xf32> to vector<224x128xf32>
    %add3A_171 = arith.addf %add3A_168, %squeeze3A_170 : vector<224x128xf32>
    %slice3A_172 = vector.extract_strided_slice %mul3A {offsets = [8, 0, 0], sizes = [1, 224, 128], strides = [1, 1, 1]} : vector<30x224x128xf32> to vector<1x224x128xf32>
    %squeeze3A_173 = vector.shape_cast %slice3A_172 : vector<1x224x128xf32> to vector<224x128xf32>
    %add3A_174 = arith.addf %add3A_171, %squeeze3A_173 : vector<224x128xf32>
    %select_n3A_175 = arith.select %gt3A, %add3A_174, %add3A_163 : vector<224x128xi1>, vector<224x128xf32>
    %add3A_176 = arith.addf %squeeze3A, %squeeze3A_12 : vector<224x128xf32>
    %gt3A_177 = arith.constant 0.899999976 : f32
    %gt3A_178 = vector.broadcast %gt3A_177 : f32 to vector<224x128xf32>
    %gt3A_179 = arith.cmpf ogt, %add3A_176, %gt3A_178 : vector<224x128xf32>
    %broadcast_in_dim3A_180 = arith.constant 0.000000e+00 : f32
    %broadcast_in_dim3A_181 = vector.broadcast %broadcast_in_dim3A_180 : f32 to vector<224x128xf32>
    %get3A_182 = arith.constant 0 : index
    %get3A_183 = arith.constant 0 : index
    %get3A_184 = vector.load %arg4[%get3A_182, %get3A_183] : memref<224x128xf32, #tpu.memory_space<vmem>>, vector<224x128xf32>
    %add3A_185 = arith.addf %get3A_184, %add3A : vector<224x128xf32>
    %swap3A = arith.constant 0 : index
    %swap3A_186 = arith.constant 0 : index
    %swap3A_187 = vector.load %arg4[%swap3A, %swap3A_186] : memref<224x128xf32, #tpu.memory_space<vmem>>, vector<224x128xf32>
    tpu.vector_store %arg4[%swap3A, %swap3A_186], %add3A_185 {strides = array<i32>} : memref<224x128xf32, #tpu.memory_space<vmem>>, vector<224x128xf32>,
    %get3A_188 = arith.constant 0 : index
    %get3A_189 = arith.constant 0 : index
    %get3A_190 = vector.load %arg5[%get3A_188, %get3A_189] : memref<224x128xf32, #tpu.memory_space<vmem>>, vector<224x128xf32>
    %select_n3A_191 = arith.select %gt3A_179, %integer_pow3A, %broadcast_in_dim3A_181 : vector<224x128xi1>, vector<224x128xf32>
    %add3A_192 = arith.addf %get3A_190, %select_n3A_191 : vector<224x128xf32>
    %swap3A_193 = arith.constant 0 : index
    %swap3A_194 = arith.constant 0 : index
    %swap3A_195 = vector.load %arg5[%swap3A_193, %swap3A_194] : memref<224x128xf32, #tpu.memory_space<vmem>>, vector<224x128xf32>
    tpu.vector_store %arg5[%swap3A_193, %swap3A_194], %add3A_192 {strides = array<i32>} : memref<224x128xf32, #tpu.memory_space<vmem>>, vector<224x128xf32>,
    %get3A_196 = arith.constant 0 : index
    %get3A_197 = arith.constant 0 : index
    %get3A_198 = vector.load %arg6[%get3A_196, %get3A_197] : memref<224x128xf32, #tpu.memory_space<vmem>>, vector<224x128xf32>
    %select_n3A_199 = arith.select %gt3A_179, %select_n3A_175, %broadcast_in_dim3A_181 : vector<224x128xi1>, vector<224x128xf32>
    %add3A_200 = arith.addf %get3A_198, %select_n3A_199 : vector<224x128xf32>
    %swap3A_201 = arith.constant 0 : index
    %swap3A_202 = arith.constant 0 : index
    %swap3A_203 = vector.load %arg6[%swap3A_201, %swap3A_202] : memref<224x128xf32, #tpu.memory_space<vmem>>, vector<224x128xf32>
    tpu.vector_store %arg6[%swap3A_201, %swap3A_202], %add3A_200 {strides = array<i32>} : memref<224x128xf32, #tpu.memory_space<vmem>>, vector<224x128xf32>,
    %get3A_204 = arith.constant 0 : index
    %get3A_205 = arith.constant 0 : index
    %get3A_206 = vector.load %arg7[%get3A_204, %get3A_205] : memref<224x128xf32, #tpu.memory_space<vmem>>, vector<224x128xf32>
    %select_n3A_207 = arith.select %gt3A_179, %reduce_sum3A_9, %broadcast_in_dim3A_181 : vector<224x128xi1>, vector<224x128xf32>
    %add3A_208 = arith.addf %get3A_206, %select_n3A_207 : vector<224x128xf32>
    %swap3A_209 = arith.constant 0 : index
    %swap3A_210 = arith.constant 0 : index
    %swap3A_211 = vector.load %arg7[%swap3A_209, %swap3A_210] : memref<224x128xf32, #tpu.memory_space<vmem>>, vector<224x128xf32>
    tpu.vector_store %arg7[%swap3A_209, %swap3A_210], %add3A_208 {strides = array<i32>} : memref<224x128xf32, #tpu.memory_space<vmem>>, vector<224x128xf32>,
    %eq3A_212 = arith.constant 13 : i32
    %eq3A_213 = arith.cmpi eq, %arg0, %eq3A_212 : i32
    %convert_element_type3A_214 = arith.extui %eq3A_213 : i1 to i32
    %cond3A_215 = arith.constant 0 : i32
    %cond3A_216 = arith.cmpi ne, %convert_element_type3A_214, %cond3A_215 : i32
    scf.if %cond3A_216 {
      %get3A_217 = arith.constant 0 : index
      %get3A_218 = arith.constant 0 : index
      %get3A_219 = vector.load %arg4[%get3A_217, %get3A_218] : memref<224x128xf32, #tpu.memory_space<vmem>>, vector<224x128xf32>
      %reduce_sum3A_220 = vector.shape_cast %get3A_219 : vector<224x128xf32> to vector<1x224x128xf32>
      %reduce_sum3A_221 = arith.constant dense<0.000000e+00> : vector<1xf32>
      %reduce_sum3A_222 = vector.multi_reduction <add>, %reduce_sum3A_220, %reduce_sum3A_221 [1, 2] : vector<1x224x128xf32> to vector<1xf32>
      %reduce_sum3A_223 = vector.shape_cast %reduce_sum3A_222 : vector<1xf32> to vector<1x1x1xf32>
      %reduce_sum3A_224 = vector.extract %reduce_sum3A_223[0, 0, 0] : f32 from vector<1x1x1xf32>
      %div3A_225 = arith.constant 1.280000e+02 : f32
      %div3A_226 = arith.divf %reduce_sum3A_224, %div3A_225 : f32
      %mul3A_227 = arith.constant 5.000000e-01 : f32
      %mul3A_228 = arith.mulf %div3A_226, %mul3A_227 : f32
      %get3A_229 = arith.constant 0 : index
      %get3A_230 = arith.constant 0 : index
      %get3A_231 = vector.load %arg5[%get3A_229, %get3A_230] : memref<224x128xf32, #tpu.memory_space<vmem>>, vector<224x128xf32>
      %reduce_sum3A_232 = vector.shape_cast %get3A_231 : vector<224x128xf32> to vector<1x224x128xf32>
      %reduce_sum3A_233 = arith.constant dense<0.000000e+00> : vector<1xf32>
      %reduce_sum3A_234 = vector.multi_reduction <add>, %reduce_sum3A_232, %reduce_sum3A_233 [1, 2] : vector<1x224x128xf32> to vector<1xf32>
      %reduce_sum3A_235 = vector.shape_cast %reduce_sum3A_234 : vector<1xf32> to vector<1x1x1xf32>
      %reduce_sum3A_236 = vector.extract %reduce_sum3A_235[0, 0, 0] : f32 from vector<1x1x1xf32>
      %div3A_237 = arith.constant 1.280000e+02 : f32
      %div3A_238 = arith.divf %reduce_sum3A_236, %div3A_237 : f32
      %mul3A_239 = arith.constant 1.000000e+00 : f32
      %mul3A_240 = arith.mulf %div3A_238, %mul3A_239 : f32
      %get3A_241 = arith.constant 0 : index
      %get3A_242 = arith.constant 0 : index
      %get3A_243 = vector.load %arg6[%get3A_241, %get3A_242] : memref<224x128xf32, #tpu.memory_space<vmem>>, vector<224x128xf32>
      %reduce_sum3A_244 = vector.shape_cast %get3A_243 : vector<224x128xf32> to vector<1x224x128xf32>
      %reduce_sum3A_245 = arith.constant dense<0.000000e+00> : vector<1xf32>
      %reduce_sum3A_246 = vector.multi_reduction <add>, %reduce_sum3A_244, %reduce_sum3A_245 [1, 2] : vector<1x224x128xf32> to vector<1xf32>
      %reduce_sum3A_247 = vector.shape_cast %reduce_sum3A_246 : vector<1xf32> to vector<1x1x1xf32>
      %reduce_sum3A_248 = vector.extract %reduce_sum3A_247[0, 0, 0] : f32 from vector<1x1x1xf32>
      %div3A_249 = arith.constant 1.280000e+02 : f32
      %div3A_250 = arith.divf %reduce_sum3A_248, %div3A_249 : f32
      %mul3A_251 = arith.constant 5.000000e+00 : f32
      %mul3A_252 = arith.mulf %div3A_250, %mul3A_251 : f32
      %get3A_253 = arith.constant 0 : index
      %get3A_254 = arith.constant 0 : index
      %get3A_255 = vector.load %arg7[%get3A_253, %get3A_254] : memref<224x128xf32, #tpu.memory_space<vmem>>, vector<224x128xf32>
      %reduce_sum3A_256 = vector.shape_cast %get3A_255 : vector<224x128xf32> to vector<1x224x128xf32>
      %reduce_sum3A_257 = arith.constant dense<0.000000e+00> : vector<1xf32>
      %reduce_sum3A_258 = vector.multi_reduction <add>, %reduce_sum3A_256, %reduce_sum3A_257 [1, 2] : vector<1x224x128xf32> to vector<1xf32>
      %reduce_sum3A_259 = vector.shape_cast %reduce_sum3A_258 : vector<1xf32> to vector<1x1x1xf32>
      %reduce_sum3A_260 = vector.extract %reduce_sum3A_259[0, 0, 0] : f32 from vector<1x1x1xf32>
      %div3A_261 = arith.constant 1.280000e+02 : f32
      %div3A_262 = arith.divf %reduce_sum3A_260, %div3A_261 : f32
      %add3A_263 = arith.addf %mul3A_228, %mul3A_240 : f32
      %add3A_264 = arith.addf %add3A_263, %mul3A_252 : f32
      %add3A_265 = arith.addf %add3A_264, %div3A_262 : f32
      %swap3A_266 = arith.constant 0 : index
      %swap3A_267 = memref.load %arg3[%swap3A_266] : memref<5xf32, #tpu.memory_space<smem>>
      memref.store %add3A_265, %arg3[%swap3A_266] : memref<5xf32, #tpu.memory_space<smem>>
      %swap3A_268 = arith.constant 1 : index
      %swap3A_269 = memref.load %arg3[%swap3A_268] : memref<5xf32, #tpu.memory_space<smem>>
      memref.store %mul3A_240, %arg3[%swap3A_268] : memref<5xf32, #tpu.memory_space<smem>>
      %swap3A_270 = arith.constant 2 : index
      %swap3A_271 = memref.load %arg3[%swap3A_270] : memref<5xf32, #tpu.memory_space<smem>>
      memref.store %mul3A_228, %arg3[%swap3A_270] : memref<5xf32, #tpu.memory_space<smem>>
      %swap3A_272 = arith.constant 3 : index
      %swap3A_273 = memref.load %arg3[%swap3A_272] : memref<5xf32, #tpu.memory_space<smem>>
      memref.store %div3A_262, %arg3[%swap3A_272] : memref<5xf32, #tpu.memory_space<smem>>
      %swap3A_274 = arith.constant 4 : index
      %swap3A_275 = memref.load %arg3[%swap3A_274] : memref<5xf32, #tpu.memory_space<smem>>
      memref.store %mul3A_252, %arg3[%swap3A_274] : memref<5xf32, #tpu.memory_space<smem>>
    } else {
    }
    return
  }
  func.func @transform_0(%arg0: i32) -> (i32, i32, i32) {
    %c0_i32 = arith.constant 0 : i32
    %c0_i32_0 = arith.constant 0 : i32
    %c0_i32_1 = arith.constant 0 : i32
    return %c0_i32, %arg0, %c0_i32_0 : i32, i32, i32
  }
  func.func @transform_1(%arg0: i32) -> (i32, i32, i32) {
    %c0_i32 = arith.constant 0 : i32
    %c0_i32_0 = arith.constant 0 : i32
    %c0_i32_1 = arith.constant 0 : i32
    return %c0_i32, %arg0, %c0_i32_0 : i32, i32, i32
  }
  func.func @transform_2(%arg0: i32) -> i32 {
    %c0_i32 = arith.constant 0 : i32
    %c0_i32_0 = arith.constant 0 : i32
    return %c0_i32 : i32
  }
}

</mosaic_0001>

<sc_bundles>
// kernel: sparse-core-data-format-call.1.cloned.1.call-start
scs
called_computation.1_lowered:
.L_overlay_start_0:
0x0: {  	s2 =	sld [smem:$0x3FD9]  }
0x1: {  	s3 =	sld [smem:$0x3FFE];
	_ =	sdelay $0x1  }
0x2: {  	s1 =	srdreg.scid  }
0x3: {  	s0 =	sand.u32 $0x1, s1  }
0x4: {  	s18 =	sshll.u32 s0, $0xA;
	s2 =	sadd.s32 s3, s2  }
0x5: {  	s2 =	sadd.s32 s2, s18  }
0x6: {  	[smem:$0x3FC6] =	sst s2  }
0x7: {  	_ = 	snop  }
0x8: {  	s2 =	sld [smem:$0x3FC9];
	(tm) =	ssettm $0x1  }
0x9: {  	s19 =	sld [smem:$0x3FFB];
	_ =	sdelay $0x3  }
0xa: {  	_ =	strace s19  }
0xb: {  	s3 =	sld [smem:$0x3FFC];
	_ =	sdelay $0x3  }
0xc: {  	_ =	strace s3  }
0xd: {  	s3 =	sld [smem:$0x3FFD];
	_ =	sdelay $0x3  }
0xe: {  	_ =	strace s3  }
0xf: {  	_ =	strace $0x8FFFFFFF  }
0x10: {  	s20 =	sld [smem:$0x3FDB];
	_ =	sdelay $0x1  }
0x11: {  	s4 =	simm.s32 $_scs_section_size  }
0x12: {  	s5 =	simm.s32 $_size__tile_overlayer_lowered;
	s6 =	simm.s32 $_tile_overlayer_lowered  }
0x13: {  	s23 =	simm.s32 $0x1BFF;
	s22 =	sshll.u32 s6, $0x1;
	s3 =	sadd.s32 s4, s20  }
0x14: {  	s7 =	simm.s32 $0x0;
	s21 =	sshll.u32 s5, $0x1;
	s5 =	sadd.s32 s22, s3  }
0x15: {  	[timem:s7], [sflag:s23] =	dma.local [hbm:s5], s21  }
0x16: {  	_ =	swait.ge [sflag:s23], s21  }
0x17: {  	s4 =	ssub.s32 $0x0, s21;
	[sflag:s23] =	ssyncset.done $0x0  }
0x18: {  	[sflag:s23] =	ssyncadd.s32 s4;
	_ =	sdelay $0x1  }
0x19: {  	s24 =	simm.s32 $0x1B8B  }
0x1a: {  	_ =	swait.ge [sflag:s24], $0x1  }
0x1b: {  	[sflag:s24] =	ssyncset.done $0x0  }
0x1c: {  	s26 =	simm.s32 $0x1B8E;
	s25 =	sld [smem:$0x3FFE];
	[sflag:s24] =	ssyncadd.s32 $0xFFFFFFFF  }
0x1d: {  	s27 =	simm.s32 $execute0_lowered;
	[smem:$0x3FD2] =	sst s26  }
0x1e: {  	s5 =	sshll.u32 s27, $0x1;
	_ =	strace $0x80000046;
	[dreg:$0x1] =	wrdreg $0xFFFFFFFF  }
0x1f: {  	s28 =	simm.s32 $_size_execute0_lowered;
	s3 =	sadd.s32 s3, s5;
	[dreg:$0x0] =	wrdreg $0x0  }
0x20: {  	s5 =	sshll.u32 s28, $0x1;
	[dreg:$0x2] =	wrdreg s3  }
0x21: {  	[dreg:$0x3] =	wrdreg s5  }
0x22: {  	[dreg:$0x4] =	wrdreg $0xC0  }
0x23: {  	_ =	task [dreg:s7], $0x5FFFF  }
0x24: {  	[dreg:$0x1] =	wrdreg $0xFFFFFFFF  }
0x25: {  	[dreg:$0x0] =	wrdreg $0x60  }
0x26: {  	[dreg:$0x2] =	wrdreg s2  }
0x27: {  	[dreg:$0x3] =	wrdreg s25  }
0x28: {  	[dreg:$0x4] =	wrdreg $0xA  }
0x29: {  	_ =	task.clear_ibuf [dreg:s7], $0x5FFFF;
	_ =	strace $0x90000046  }
0x2a: {  	s29 =	simm.s32 $0xA;
	_ =	strace $0x80000048  }
0x2b: {  	_ =	swait.ge [sflag:s29], $0x1  }
0x2c: {  	[sflag:s29] =	ssyncadd.s32 $0xFFFFFFFF  }
0x2d: {  	_ =	strace $0x90000048  }
0x2e: {  	_ =	sfence  }
0x2f: {  	s30 =	sld [smem:$0x0];
	_ =	sdelay $0x2  }
0x30: {  	s31 =	sshll.u32 s1, $0xD;
	s1 =	sshrl.u32 s1, $0x2  }
0x31: {  	s3 =	sand.u32 $0x4000, s31;
	s1 =	sadd.s32 s1, s30  }
0x32: {  	s0 =	sor.u32 s3, s0;
	s1 =	sshll.u32 s1, $0x11  }
0x33: {  	s0 =	sor.u32 s1, s0  }
0x34: {  	s0 =	sadd.s32 $0x8F2B, s0  }
0x35: {  	[sflag:s0] =	ssyncadd.remote.s32 $0x1  }
0x36: {  	_ =	sfence.sel $0xFFFF  }
0x37: {  	[dreg:$0x0] =	wrdreg $0xFFFFFFFF;
	(pc) =	sbr.abs _section_cstart, $3  }
0x38: {  	[dreg:$0x1] =	wrdreg $0xFFFFFFFF  }
0x39: {  	_ =	task.clear_ibuf [dreg:s7], $0x2FFFF;
	_ =	strace $0x9FFFFFFF  }
0x3a: {  	(tm) =	ssettm $0x7FFFFFFF  }
0x3b: {  	_ =	shalt  }
tec
execute0_lowered:
.L_overlay_start_1:
0x0: {  	(tag) =	ssettag $0x1  }
0x1: {  	s7 =	rddreg [dreg:$0x0]  }
0x2: {  	s0 =	srdreg.scid;
	s6 =	rddreg [dreg:$0x1]  }
0x3: {  	s8 =	simm.s32 $0x2;
	s13 =	simm.s32 $0x0;
	s1 =	sshll.u32 s0, $0x4  }
0x4: {  	s10 =	simm.s32 $0x1C00;
	s0 =	stileid.u32;
	s1 =	sand.u32 $0x10, s1  }
0x5: {  	s14 =	simm.s32 $0x0;
	s11 =	simm.s32 $0x0;
	s2 =	sor.u32 s0, s1  }
0x6: {  	s12 =	simm.s32 $0x0;
	s6 =	sadd.s32 $0xA00, s6;
	s3 =	ssub.s32 $0x1E, s2  }
0x7: {  	s1 =	rddreg [dreg:$0x2];
	_ =	strace $0x80000047;
	p0 =	sgt.s32 s3, $0x0  }
0x8: {  	s5 =	smax.u32 s2, $0x1D;
	s9 =	smul.u32 $0x380, s2;
	s3 =	simm.s32 @!p0 $0x0  }
.Ltmp0:
0x9: {  	s5 =	ssub.s32 $0x1E, s5;
	s3 =	sadd.s32 $0x1F, s3;
	(pc) =	sbr.rel .LBB1_1-.Ltmp0, $4  }
0xa: {  	s5 =	smul.u32 $0x7000, s5;
	p0 =	sgt.u32 s2, $0x1D;
	s4 =	sshrl.u32 s3, $0x5  }
0xb: {  	s7 =	sadd.s32 s7, s9;
	s3 =	simm.s32 $0x1;
	s4 =	smul.u32 $0x38, s4  }
0xc: {  	s9 =	simm.s32 $0x40;
	s5 =	simm.s32 @p0 $0x0;
	[sflag:s3] =	ssyncpa.u1 $0x0  }
0xd: {  	p0 =	por $0x0, $0x0;
	[sflag:s8] =	ssyncpa.u1 $0x0;
	s8 =	sor.u32 $0x1, s4  }
.LBB1_4:
0xe: {  	v5 =	vld [tilespmem:s18+$0xFFFFFFD0];
	[tilespmem:s17+$0x1040 ss:$0x41] =	vst.msk $0xffff, v1  }
0xf: {  	v58 =	vld [tilespmem:s18+$0xFFFFFFE0];
	[tilespmem:s17+$0x1450 ss:$0x41] =	vst.msk $0xffff, v2  }
0x10: {  	s19 =	sshra.s32 s19, $0x2;
	v59 =	vld [tilespmem:s18+$0xFFFFFFF0];
	[tilespmem:s17+$0x1860 ss:$0x41] =	vst.msk $0xffff, v3  }
0x11: {  	v60 =	vld [tilespmem:s18+$0x0];
	[tilespmem:s17+$0x0 ss:$0x41] =	vst.msk $0xffff, v0;
	s16 =	sadd.s32 s19, s16  }
0x12: {  	v61 =	vld [tilespmem:s18+$0x10];
	s14 =	sand.u32 $0x1FFFFFF, s14;
	[tilespmem:s16+$0x1C70 ss:$0x41] =	vst.msk $0xffff, v4  }
0x13: {  	v62 =	vld [tilespmem:s18+$0x20];
	s31 =	smulhi.u32 $0x4924925, s14;
	[tilespmem:s16+$0x410 ss:$0x41] =	vst.msk $0xffff, v5  }
0x14: {  	v63 =	vld [tilespmem:s18+$0xFFFFFFC0];
	[tilespmem:s16+$0x820 ss:$0x41] =	vst.msk $0xffff, v58  }
0x15: {  	s17 =	smul.u32 $0x38, s31;
	[tilespmem:s16+$0xC30 ss:$0x41] =	vst.msk $0xffff, v59  }
0x16: {  	s13 =	smul.u32 $0x1C000, s13;
	[tilespmem:s16+$0x1040 ss:$0x41] =	vst.msk $0xffff, v60  }
0x17: {  	[tilespmem:s16+$0x1450 ss:$0x41] =	vst.msk $0xffff, v61;
	s14 =	ssub.s32 s14, s17  }
0x18: {  	s13 =	sadd.s32 s6, s13;
	[tilespmem:s16+$0x1860 ss:$0x41] =	vst.msk $0xffff, v62;
	s14 =	sshll.u32 s14, $0x4  }
0x19: {  	[tilespmem:s16+$0x0 ss:$0x41] =	vst.msk $0xffff, v63;
	s13 =	sadd.s32 s14, s13  }
0x1a: {  	[hbm4b:s13+s9] =	stream.strided.scatter [tilespmem:s15], [sflag:$0x2], $0x2000, s10, s9, $0x18;
	[tilespmem:$0x8100] =	vst v63  }
.LBB1_5:
0x1b: {  	s15 =	sadd.s32 $0x1, s11  }
0x1c: {  	p2 =	sgt.s32 s15, $0x37  }
0x1d: {  	s15 =	simm.s32 @p2 $0x0;
	p2 =	sne.s32 s12, s8  }
.Ltmp1:
0x1e: {  	p1 =	slt.u32 s12, $0x2;
	(pc) =	sbr.rel @!p2 .LBB1_6-.Ltmp1, $4  }
0x1f: {  	s13 =	simm.s32 @!p1 $0x2  }
0x20: {  	s16 =	sadd.s32 $0x1, s12;
	s14 =	smov.u32 s11;
	_ =	swait.ge @!p1 [sflag:s13], $0x2000  }
0x21: {  	p0 =	por !p0, !p0;
	s12 =	smov.u32 s16;
	[sflag:s13] =	ssyncset.done @!p1 $0x0  }
0x22: {  	s11 =	smov.u32 s15;
	[sflag:s13] =	ssyncadd.s32 @!p1 $0xFFFFE000;
	s13 =	smov.u32 s2  }
.LBB1_1:
0x23: {  	p1 =	sge.u32 s12, s4  }
0x24: {  	p2 =	sgt.s32 @!p1 s11, $0x37  }
0x25: {  	s15 =	smov.u32 s11;
	s16 =	sshra.s32 @!p1 s11, $0x1F;
	p2 =	por !p2, p1  }
0x26: {  	s16 =	sand.u32 @!p1 s16, s11;
	s15 =	simm.s32 @p2 $0x37  }
0x27: {  	s15 =	ssub.s32 @!p1 s15, s16  }
0x28: {  	s16 =	sadd.s32 @!p1 $0xFFFFFFC9, s15  }
0x29: {  	p2 =	sgt.s32 @!p1 s16, $0x0  }
0x2a: {  	s15 =	ssub.s32 @!p1 $0x38, s15;
	p2 =	por !p2, p1  }
0x2b: {  	s17 =	smul.u32 @!p1 $0x6900, s11;
	s15 =	simm.s32 @!p2 $0x0  }
0x2c: {  	s16 =	sxor.u32 @!p1 $0xFFFFFFFF, s12;
	s15 =	smul.u32 @!p1 s15, s5  }
0x2d: {  	s31 =	sadd.s32 $0xFFFFFFFF, s12;
	s18 =	simm.s32 @!p1 $0x0;
	s16 =	sshll.u32 @!p1 s16, $0xD  }
0x2e: {  	s17 =	sadd.s32 @!p1 s17, s7;
	s16 =	sand.u32 @!p1 $0x2000, s16;
	s15 =	sshrl.u32 @!p1 s15, $0x2  }
0x2f: {  	[tilespmem:s16], [sflag:$0x1] =	stream.linear.gather @!p1 [hbm4b:s17+s18], s15, $0x38;
	[tilespmem:$0x8100] =	vst v63  }
0x30: {  	p1 =	sge.u32 s31, s4  }
.Ltmp2:
0x31: {  	_ = 	snop;
	(pc) =	sbr.rel @p1 .LBB1_5-.Ltmp2, $1  }
0x32: {  	_ =	sdelay $0x3  }
0x33: {  	p1 =	sgt.s32 s14, $0x37;
	s15 =	smov.u32 s14  }
0x34: {  	s16 =	sshra.s32 s14, $0x1F;
	p2 =	sgt.s32 s13, $0x1D;
	s17 =	smov.u32 s13  }
0x35: {  	s15 =	simm.s32 @!p1 $0x37;
	s16 =	sand.u32 s16, s14;
	s17 =	simm.s32 @!p2 $0x1D  }
0x36: {  	s15 =	ssub.s32 s15, s16;
	s27 =	ssub.s32 $0x1E, s17  }
0x37: {  	s28 =	sadd.s32 $0xFFFFFFC9, s15;
	s16 =	smul.u32 $0x7000, s27  }
0x38: {  	p2 =	sgt.u32 s13, $0x1D;
	s15 =	ssub.s32 $0x38, s15;
	p1 =	sgt.s32 s28, $0x0  }
0x39: {  	s15 =	simm.s32 @p1 $0x0;
	s16 =	simm.s32 @p2 $0x0  }
0x3a: {  	s15 =	smul.u32 s15, s16;
	_ =	sdelay $0x1  }
0x3b: {  	s16 =	simm.s32 $0x1;
	s15 =	sshrl.u32 s15, $0x2  }
0x3c: {  	s16 =	simm.s32 @!p0 $0x0;
	_ =	swait.ge [sflag:s3], s15  }
0x3d: {  	s29 =	sshll.u32 s16, $0xD;
	s15 =	ssub.s32 $0x0, s15;
	[sflag:s3] =	ssyncset.done $0x0  }
0x3e: {  	s18 =	sor.u32 $0x40, s29;
	[sflag:s3] =	ssyncadd.s32 s15  }
0x3f: {  	s30 =	smul.u32 $0x8200, s16;
	v0 =	vld [tilespmem:s18+$0x30]  }
0x40: {  	v3 =	vld [tilespmem:s18+$0xFFFFFFD0]  }
0x41: {  	s15 =	sshrl.u32 s30, $0x2;
	v4 =	vld [tilespmem:s18+$0xFFFFFFE0]  }
0x42: {  	s16 =	sor.u32 $0x4000, s15;
	v5 =	vld [tilespmem:s18+$0xFFFFFFF0]  }
0x43: {  	s31 =	sand.u32 $0x1, s12;
	v1 =	vld [tilespmem:s18+$0x0];
	s17 =	sadd.s32 $0x0, s16  }
0x44: {  	s15 =	smul.u32 $0x8200, s31;
	v2 =	vld [tilespmem:s18+$0x10];
	[tilespmem:s17+$0x1C70 ss:$0x41] =	vst.msk $0xffff, v0  }
0x45: {  	[tilespmem:s17+$0x410 ss:$0x41] =	vst.msk $0xffff, v3;
	v3 =	vld [tilespmem:s18+$0x20]  }
0x46: {  	s15 =	sshrl.u32 s15, $0x2;
	v0 =	vld [tilespmem:s18+$0xFFFFFFC0];
	[tilespmem:s17+$0x820 ss:$0x41] =	vst.msk $0xffff, v4;
	s18 =	sadd.s32 $0x80, s18  }
0x47: {  	s19 =	simm.s32 $0x4;
	s20 =	simm.s32 $0x8;
	s15 =	sor.u32 $0x4000, s15;
	[tilespmem:s17+$0xC30 ss:$0x41] =	vst.msk $0xffff, v5;
	v4 =	vld [tilespmem:s18+$0x30]  }
.LBB1_3:
0x48: {  	p1 =	sne.s32 s20, $0xFC;
	v5 =	vld [tilespmem:s18+$0xFFFFFFD0];
	[tilespmem:s17+$0x1040 ss:$0x41] =	vst.msk $0xffff, v1  }
0x49: {  	v6 =	vld [tilespmem:s18+$0xFFFFFFE0];
	[tilespmem:s17+$0x1450 ss:$0x41] =	vst.msk $0xffff, v2  }
0x4a: {  	s21 =	sshra.s32 s19, $0x2;
	s19 =	smov.u32 s20;
	v7 =	vld [tilespmem:s18+$0xFFFFFFF0];
	[tilespmem:s17+$0x1860 ss:$0x41] =	vst.msk $0xffff, v3  }
.Ltmp3:
0x4b: {  	v1 =	vld [tilespmem:s18+$0x0];
	[tilespmem:s17+$0x0 ss:$0x41] =	vst.msk $0xffff, v0;
	s17 =	sadd.s32 s21, s16;
	(pc) =	sbr.rel @p1 .LBB1_3-.Ltmp3, $4  }
0x4c: {  	v2 =	vld [tilespmem:s18+$0x10];
	[tilespmem:s17+$0x1C70 ss:$0x41] =	vst.msk $0xffff, v4  }
0x4d: {  	[tilespmem:s17+$0x410 ss:$0x41] =	vst.msk $0xffff, v5;
	v3 =	vld [tilespmem:s18+$0x20]  }
0x4e: {  	v0 =	vld [tilespmem:s18+$0xFFFFFFC0];
	[tilespmem:s17+$0x820 ss:$0x41] =	vst.msk $0xffff, v6;
	s18 =	sadd.s32 $0x80, s18  }
0x4f: {  	s20 =	sadd.s32 $0x4, s20;
	v4 =	vld [tilespmem:s18+$0x30];
	[tilespmem:s17+$0xC30 ss:$0x41] =	vst.msk $0xffff, v7  }
.Ltmp4:
0x50: {  	_ = 	snop;
	(pc) =	sbr.rel .LBB1_4-.Ltmp4, $1  }
0x51: {  	_ =	sdelay $0x3  }
.LBB1_6:
0x52: {  	_ =	sfence.sel $0x180000  }
0x53: {  	s2 =	simm.s32 $0x1;
	[bflag:$0x0] =	sbarrier.arrive $0xFFFF  }
0x54: {  	s31 =	simm.s32 $0x2;
	[sflag:s2] =	ssyncpa.u1 $0x1  }
0x55: {  	[sflag:s31] =	ssyncpa.u1 $0x1  }
0x56: {  	p0 =	sne.s32 s0, $0x0;
	_ =	strace $0x90000047  }
0x57: {  	s0 =	sadd.s32 @!p0 $0x100000, s1;
	[bflag:$0x2] =	sbarrier.arrive $0xFFFF  }
0x58: {  	[sflag:s0] =	ssyncadd.tile.s32 @!p0 $0x1;
	_ =	shalt  }
.Lfunc_end1:
_tile_overlayer_lowered:
.L_overlay_start_2:
0x59: {  	(tag) =	ssettag $0x2  }
0x5a: {  	s0 =	rddreg [dreg:$0x0];
	s2 =	stileid.u32  }
0x5b: {  	s1 =	rddreg [dreg:$0x1];
	p0 =	sne.s32 s2, $0x0  }
0x5c: {  	s3 =	rddreg [dreg:$0x2];
	[bflag:$0x3] =	sbarrier.arrive $0xFFFF;
	s2 =	simm.s32 @!p0 $0x1C01  }
0x5d: {  	[timem:s3], [sflag:s2] =	dma.local @!p0 [hbm:s0], s1  }
0x5e: {  	s0 =	simm.s32 @!p0 $0x1  }
0x5f: {  	_ =	swait.ge @!p0 [sflag:s0], s1  }
0x60: {  	s1 =	ssub.s32 @!p0 $0x0, s1;
	[sflag:s0] =	ssyncset.done @!p0 $0x0  }
0x61: {  	[sflag:s0] =	ssyncadd.s32 @!p0 s1  }
0x62: {  	[bflag:$0x3] =	sbarrier.arrive $0xFFFF  }
0x63: {  	_ =	shalt  }

// kernel: sparse-core-data-format-call.cloned.1.call-start
scs
called_computation_lowered:
.L_overlay_start_0:
0x0: {  	s2 =	sld [smem:$0x3FD9]  }
0x1: {  	s3 =	sld [smem:$0x3FFE];
	_ =	sdelay $0x1  }
0x2: {  	s1 =	srdreg.scid  }
0x3: {  	s0 =	sand.u32 $0x1, s1  }
0x4: {  	s18 =	sshll.u32 s0, $0xA;
	s2 =	sadd.s32 s3, s2  }
0x5: {  	s2 =	sadd.s32 s2, s18  }
0x6: {  	[smem:$0x3FC6] =	sst s2  }
0x7: {  	_ = 	snop  }
0x8: {  	s19 =	sld [smem:$0x3FC8];
	(tm) =	ssettm $0x1  }
0x9: {  	s20 =	sld [smem:$0x3FFB];
	_ =	sdelay $0x3  }
0xa: {  	_ =	strace s20  }
0xb: {  	s2 =	sld [smem:$0x3FFC];
	_ =	sdelay $0x3  }
0xc: {  	_ =	strace s2  }
0xd: {  	s2 =	sld [smem:$0x3FFD];
	_ =	sdelay $0x3  }
0xe: {  	_ =	strace s2  }
0xf: {  	_ =	strace $0x8FFFFFFF  }
0x10: {  	s21 =	sld [smem:$0x3FDB];
	_ =	sdelay $0x1  }
0x11: {  	s4 =	simm.s32 $_scs_section_size  }
0x12: {  	s5 =	simm.s32 $_size__tile_overlayer_lowered;
	s6 =	simm.s32 $_tile_overlayer_lowered  }
0x13: {  	s7 =	simm.s32 $0x1BFF;
	s22 =	sshll.u32 s6, $0x1;
	s4 =	sadd.s32 s4, s21  }
0x14: {  	s23 =	simm.s32 $0x0;
	s5 =	sshll.u32 s5, $0x1;
	s6 =	sadd.s32 s22, s4  }
0x15: {  	[timem:s23], [sflag:s7] =	dma.local [hbm:s6], s5  }
0x16: {  	_ =	swait.ge [sflag:s7], s5  }
0x17: {  	s5 =	ssub.s32 $0x0, s5;
	[sflag:s7] =	ssyncset.done $0x0  }
0x18: {  	[sflag:s7] =	ssyncadd.s32 s5;
	_ =	sdelay $0x1  }
0x19: {  	s24 =	simm.s32 $0x1B8B  }
0x1a: {  	_ =	swait.ge [sflag:s24], $0x1  }
0x1b: {  	[sflag:s24] =	ssyncset.done $0x0  }
0x1c: {  	[sflag:s24] =	ssyncadd.s32 $0xFFFFFFFF  }
0x1d: {  	s5 =	sld [smem:$0x0]  }
0x1e: {  	s6 =	sand.u32 $0xFFFFFFFE, s1  }
0x1f: {  	p0 =	sne.s32 s1, s6  }
0x20: {  	s6 =	sshll.u32 @p0 s6, $0xE  }
0x21: {  	s6 =	sadd.s32 @p0 $0x11B8D, s6;
	s7 =	sshll.u32 @p0 s5, $0x11  }
0x22: {  	s6 =	sor.u32 @p0 s7, s6  }
0x23: {  	[sflag:s6] =	ssyncadd.remote.s32 @p0 $0x1;
	_ =	sdelay $0x1  }
0x24: {  	s6 =	simm.s32 @p0 $0x1B8D  }
0x25: {  	_ =	swait.eq @p0 [sflag:s6], $0x1  }
0x26: {  	[sflag:s6] =	ssyncadd.s32 @p0 $0xFFFFFFFF  }
0x27: {  	s7 =	sshll.u32 @!p0 s1, $0xE  }
0x28: {  	s7 =	sor.u32 @!p0 $0x4000, s7;
	s6 =	simm.s32 @!p0 $0x1B8D  }
0x29: {  	s5 =	sshll.u32 @!p0 s5, $0x11;
	s7 =	sadd.s32 @!p0 $0x11B8D, s7;
	_ =	swait.eq @!p0 [sflag:s6], $0x1  }
0x2a: {  	s5 =	sor.u32 @!p0 s5, s7;
	[sflag:s6] =	ssyncadd.s32 @!p0 $0xFFFFFFFF  }
0x2b: {  	s26 =	simm.s32 $0x1B8E;
	s25 =	sld [smem:$0x3FFE];
	[sflag:s5] =	ssyncadd.remote.s32 @!p0 $0x1  }
0x2c: {  	s27 =	simm.s32 $execute0_lowered;
	[smem:$0x3FD2] =	sst s26  }
0x2d: {  	s6 =	sshll.u32 s27, $0x1;
	_ =	strace $0x80000049;
	[dreg:$0x1] =	wrdreg $0xFFFFFFFF  }
0x2e: {  	s28 =	simm.s32 $_size_execute0_lowered;
	s4 =	sadd.s32 s4, s6;
	[dreg:$0x0] =	wrdreg $0x0  }
0x2f: {  	s6 =	sshll.u32 s28, $0x1;
	[dreg:$0x2] =	wrdreg s4  }
0x30: {  	[dreg:$0x3] =	wrdreg s6  }
0x31: {  	[dreg:$0x4] =	wrdreg $0xC0  }
0x32: {  	_ =	task [dreg:s23], $0x5FFFF  }
0x33: {  	[dreg:$0x1] =	wrdreg $0xFFFFFFFF  }
0x34: {  	[dreg:$0x0] =	wrdreg $0x60  }
0x35: {  	[dreg:$0x2] =	wrdreg s19  }
0x36: {  	[dreg:$0x3] =	wrdreg s25  }
0x37: {  	[dreg:$0x4] =	wrdreg $0x9  }
0x38: {  	_ =	task.clear_ibuf [dreg:s23], $0x5FFFF;
	_ =	strace $0x90000049  }
0x39: {  	s29 =	simm.s32 $0x9;
	_ =	strace $0x8000004B  }
0x3a: {  	_ =	swait.ge [sflag:s29], $0x1  }
0x3b: {  	[sflag:s29] =	ssyncadd.s32 $0xFFFFFFFF  }
0x3c: {  	_ =	strace $0x9000004B  }
0x3d: {  	_ =	sfence  }
0x3e: {  	s30 =	sld [smem:$0x0];
	_ =	sdelay $0x2  }
0x3f: {  	s31 =	sshll.u32 s1, $0xD;
	s1 =	sshrl.u32 s1, $0x2  }
0x40: {  	s4 =	sand.u32 $0x4000, s31;
	s1 =	sadd.s32 s1, s30  }
0x41: {  	s0 =	sor.u32 s4, s0;
	s1 =	sshll.u32 s1, $0x11  }
0x42: {  	s0 =	sor.u32 s1, s0  }
0x43: {  	s0 =	sadd.s32 $0x8F2B, s0  }
0x44: {  	[sflag:s0] =	ssyncadd.remote.s32 $0x1  }
0x45: {  	_ =	sfence.sel $0xFFFF  }
0x46: {  	[dreg:$0x0] =	wrdreg $0xFFFFFFFF;
	(pc) =	sbr.abs _section_cstart, $3  }
0x47: {  	[dreg:$0x1] =	wrdreg $0xFFFFFFFF  }
0x48: {  	_ =	task.clear_ibuf [dreg:s23], $0x2FFFF;
	_ =	strace $0x9FFFFFFF  }
0x49: {  	(tm) =	ssettm $0x7FFFFFFF  }
tec
execute0_lowered:
.L_overlay_start_1:
0x0: {  	(tag) =	ssettag $0x1  }
0x1: {  	s7 =	rddreg [dreg:$0x0]  }
0x2: {  	s0 =	srdreg.scid;
	s6 =	rddreg [dreg:$0x1]  }
0x3: {  	s8 =	simm.s32 $0x2;
	s13 =	simm.s32 $0x0;
	s1 =	sshll.u32 s0, $0x4  }
0x4: {  	s10 =	simm.s32 $0x1C00;
	s0 =	stileid.u32;
	s1 =	sand.u32 $0x10, s1  }
0x5: {  	s14 =	simm.s32 $0x0;
	s11 =	simm.s32 $0x0;
	s2 =	sor.u32 s0, s1  }
0x6: {  	s12 =	simm.s32 $0x0;
	s6 =	sadd.s32 $0x348A00, s6;
	s3 =	ssub.s32 $0x1E, s2  }
0x7: {  	s1 =	rddreg [dreg:$0x2];
	_ =	strace $0x8000004A;
	p0 =	sgt.s32 s3, $0x0  }
0x8: {  	s5 =	smax.u32 s2, $0x1D;
	s9 =	smul.u32 $0x380, s2;
	s3 =	simm.s32 @!p0 $0x0  }
.Ltmp0:
0x9: {  	s5 =	ssub.s32 $0x1E, s5;
	s3 =	sadd.s32 $0x1F, s3;
	(pc) =	sbr.rel .LBB1_1-.Ltmp0, $4  }
0xa: {  	s5 =	smul.u32 $0x7000, s5;
	p0 =	sgt.u32 s2, $0x1D;
	s4 =	sshrl.u32 s3, $0x5  }
0xb: {  	s7 =	sadd.s32 s7, s9;
	s3 =	simm.s32 $0x1;
	s4 =	smul.u32 $0x38, s4  }
0xc: {  	s9 =	simm.s32 $0x40;
	s5 =	simm.s32 @p0 $0x0;
	[sflag:s3] =	ssyncpa.u1 $0x0  }
0xd: {  	p0 =	por $0x0, $0x0;
	[sflag:s8] =	ssyncpa.u1 $0x0;
	s8 =	sor.u32 $0x1, s4  }
.LBB1_4:
0xe: {  	v5 =	vld [tilespmem:s18+$0xFFFFFFD0];
	[tilespmem:s17+$0x1040 ss:$0x41] =	vst.msk $0xffff, v1  }
0xf: {  	v58 =	vld [tilespmem:s18+$0xFFFFFFE0];
	[tilespmem:s17+$0x1450 ss:$0x41] =	vst.msk $0xffff, v2  }
0x10: {  	s19 =	sshra.s32 s19, $0x2;
	v59 =	vld [tilespmem:s18+$0xFFFFFFF0];
	[tilespmem:s17+$0x1860 ss:$0x41] =	vst.msk $0xffff, v3  }
0x11: {  	v60 =	vld [tilespmem:s18+$0x0];
	[tilespmem:s17+$0x0 ss:$0x41] =	vst.msk $0xffff, v0;
	s16 =	sadd.s32 s19, s16  }
0x12: {  	v61 =	vld [tilespmem:s18+$0x10];
	s14 =	sand.u32 $0x1FFFFFF, s14;
	[tilespmem:s16+$0x1C70 ss:$0x41] =	vst.msk $0xffff, v4  }
0x13: {  	v62 =	vld [tilespmem:s18+$0x20];
	s31 =	smulhi.u32 $0x4924925, s14;
	[tilespmem:s16+$0x410 ss:$0x41] =	vst.msk $0xffff, v5  }
0x14: {  	v63 =	vld [tilespmem:s18+$0xFFFFFFC0];
	[tilespmem:s16+$0x820 ss:$0x41] =	vst.msk $0xffff, v58  }
0x15: {  	s17 =	smul.u32 $0x38, s31;
	[tilespmem:s16+$0xC30 ss:$0x41] =	vst.msk $0xffff, v59  }
0x16: {  	s13 =	smul.u32 $0x1C000, s13;
	[tilespmem:s16+$0x1040 ss:$0x41] =	vst.msk $0xffff, v60  }
0x17: {  	[tilespmem:s16+$0x1450 ss:$0x41] =	vst.msk $0xffff, v61;
	s14 =	ssub.s32 s14, s17  }
0x18: {  	s13 =	sadd.s32 s6, s13;
	[tilespmem:s16+$0x1860 ss:$0x41] =	vst.msk $0xffff, v62;
	s14 =	sshll.u32 s14, $0x4  }
0x19: {  	[tilespmem:s16+$0x0 ss:$0x41] =	vst.msk $0xffff, v63;
	s13 =	sadd.s32 s14, s13  }
0x1a: {  	[hbm4b:s13+s9] =	stream.strided.scatter [tilespmem:s15], [sflag:$0x2], $0x2000, s10, s9, $0x18;
	[tilespmem:$0x8100] =	vst v63  }
.LBB1_5:
0x1b: {  	s15 =	sadd.s32 $0x1, s11  }
0x1c: {  	p2 =	sgt.s32 s15, $0x37  }
0x1d: {  	s15 =	simm.s32 @p2 $0x0;
	p2 =	sne.s32 s12, s8  }
.Ltmp1:
0x1e: {  	p1 =	slt.u32 s12, $0x2;
	(pc) =	sbr.rel @!p2 .LBB1_6-.Ltmp1, $4  }
0x1f: {  	s13 =	simm.s32 @!p1 $0x2  }
0x20: {  	s16 =	sadd.s32 $0x1, s12;
	s14 =	smov.u32 s11;
	_ =	swait.ge @!p1 [sflag:s13], $0x2000  }
0x21: {  	p0 =	por !p0, !p0;
	s12 =	smov.u32 s16;
	[sflag:s13] =	ssyncset.done @!p1 $0x0  }
0x22: {  	s11 =	smov.u32 s15;
	[sflag:s13] =	ssyncadd.s32 @!p1 $0xFFFFE000;
	s13 =	smov.u32 s2  }
.LBB1_1:
0x23: {  	p1 =	sge.u32 s12, s4  }
0x24: {  	p2 =	sgt.s32 @!p1 s11, $0x37  }
0x25: {  	s15 =	smov.u32 s11;
	s16 =	sshra.s32 @!p1 s11, $0x1F;
	p2 =	por !p2, p1  }
0x26: {  	s16 =	sand.u32 @!p1 s16, s11;
	s15 =	simm.s32 @p2 $0x37  }
0x27: {  	s15 =	ssub.s32 @!p1 s15, s16  }
0x28: {  	s16 =	sadd.s32 @!p1 $0xFFFFFFC9, s15  }
0x29: {  	p2 =	sgt.s32 @!p1 s16, $0x0  }
0x2a: {  	s15 =	ssub.s32 @!p1 $0x38, s15;
	p2 =	por !p2, p1  }
0x2b: {  	s17 =	smul.u32 @!p1 $0x6900, s11;
	s15 =	simm.s32 @!p2 $0x0  }
0x2c: {  	s16 =	sxor.u32 @!p1 $0xFFFFFFFF, s12;
	s15 =	smul.u32 @!p1 s15, s5  }
0x2d: {  	s31 =	sadd.s32 $0xFFFFFFFF, s12;
	s18 =	simm.s32 @!p1 $0x0;
	s16 =	sshll.u32 @!p1 s16, $0xD  }
0x2e: {  	s17 =	sadd.s32 @!p1 s17, s7;
	s16 =	sand.u32 @!p1 $0x2000, s16;
	s15 =	sshrl.u32 @!p1 s15, $0x2  }
0x2f: {  	[tilespmem:s16], [sflag:$0x1] =	stream.linear.gather @!p1 [hbm4b:s17+s18], s15, $0x38;
	[tilespmem:$0x8100] =	vst v63  }
0x30: {  	p1 =	sge.u32 s31, s4  }
.Ltmp2:
0x31: {  	_ = 	snop;
	(pc) =	sbr.rel @p1 .LBB1_5-.Ltmp2, $1  }
0x32: {  	_ =	sdelay $0x3  }
0x33: {  	p1 =	sgt.s32 s14, $0x37;
	s15 =	smov.u32 s14  }
0x34: {  	s16 =	sshra.s32 s14, $0x1F;
	p2 =	sgt.s32 s13, $0x1D;
	s17 =	smov.u32 s13  }
0x35: {  	s15 =	simm.s32 @!p1 $0x37;
	s16 =	sand.u32 s16, s14;
	s17 =	simm.s32 @!p2 $0x1D  }
0x36: {  	s15 =	ssub.s32 s15, s16;
	s27 =	ssub.s32 $0x1E, s17  }
0x37: {  	s28 =	sadd.s32 $0xFFFFFFC9, s15;
	s16 =	smul.u32 $0x7000, s27  }
0x38: {  	p2 =	sgt.u32 s13, $0x1D;
	s15 =	ssub.s32 $0x38, s15;
	p1 =	sgt.s32 s28, $0x0  }
0x39: {  	s15 =	simm.s32 @p1 $0x0;
	s16 =	simm.s32 @p2 $0x0  }
0x3a: {  	s15 =	smul.u32 s15, s16;
	_ =	sdelay $0x1  }
0x3b: {  	s16 =	simm.s32 $0x1;
	s15 =	sshrl.u32 s15, $0x2  }
0x3c: {  	s16 =	simm.s32 @!p0 $0x0;
	_ =	swait.ge [sflag:s3], s15  }
0x3d: {  	s29 =	sshll.u32 s16, $0xD;
	s15 =	ssub.s32 $0x0, s15;
	[sflag:s3] =	ssyncset.done $0x0  }
0x3e: {  	s18 =	sor.u32 $0x40, s29;
	[sflag:s3] =	ssyncadd.s32 s15  }
0x3f: {  	s30 =	smul.u32 $0x8200, s16;
	v0 =	vld [tilespmem:s18+$0x30]  }
0x40: {  	v3 =	vld [tilespmem:s18+$0xFFFFFFD0]  }
0x41: {  	s15 =	sshrl.u32 s30, $0x2;
	v4 =	vld [tilespmem:s18+$0xFFFFFFE0]  }
0x42: {  	s16 =	sor.u32 $0x4000, s15;
	v5 =	vld [tilespmem:s18+$0xFFFFFFF0]  }
0x43: {  	s31 =	sand.u32 $0x1, s12;
	v1 =	vld [tilespmem:s18+$0x0];
	s17 =	sadd.s32 $0x0, s16  }
0x44: {  	s15 =	smul.u32 $0x8200, s31;
	v2 =	vld [tilespmem:s18+$0x10];
	[tilespmem:s17+$0x1C70 ss:$0x41] =	vst.msk $0xffff, v0  }
0x45: {  	[tilespmem:s17+$0x410 ss:$0x41] =	vst.msk $0xffff, v3;
	v3 =	vld [tilespmem:s18+$0x20]  }
0x46: {  	s15 =	sshrl.u32 s15, $0x2;
	v0 =	vld [tilespmem:s18+$0xFFFFFFC0];
	[tilespmem:s17+$0x820 ss:$0x41] =	vst.msk $0xffff, v4;
	s18 =	sadd.s32 $0x80, s18  }
0x47: {  	s19 =	simm.s32 $0x4;
	s20 =	simm.s32 $0x8;
	s15 =	sor.u32 $0x4000, s15;
	[tilespmem:s17+$0xC30 ss:$0x41] =	vst.msk $0xffff, v5;
	v4 =	vld [tilespmem:s18+$0x30]  }
.LBB1_3:
0x48: {  	p1 =	sne.s32 s20, $0xFC;
	v5 =	vld [tilespmem:s18+$0xFFFFFFD0];
	[tilespmem:s17+$0x1040 ss:$0x41] =	vst.msk $0xffff, v1  }
0x49: {  	v6 =	vld [tilespmem:s18+$0xFFFFFFE0];
	[tilespmem:s17+$0x1450 ss:$0x41] =	vst.msk $0xffff, v2  }
0x4a: {  	s21 =	sshra.s32 s19, $0x2;
	s19 =	smov.u32 s20;
	v7 =	vld [tilespmem:s18+$0xFFFFFFF0];
	[tilespmem:s17+$0x1860 ss:$0x41] =	vst.msk $0xffff, v3  }
.Ltmp3:
0x4b: {  	v1 =	vld [tilespmem:s18+$0x0];
	[tilespmem:s17+$0x0 ss:$0x41] =	vst.msk $0xffff, v0;
	s17 =	sadd.s32 s21, s16;
	(pc) =	sbr.rel @p1 .LBB1_3-.Ltmp3, $4  }
0x4c: {  	v2 =	vld [tilespmem:s18+$0x10];
	[tilespmem:s17+$0x1C70 ss:$0x41] =	vst.msk $0xffff, v4  }
0x4d: {  	[tilespmem:s17+$0x410 ss:$0x41] =	vst.msk $0xffff, v5;
	v3 =	vld [tilespmem:s18+$0x20]  }
0x4e: {  	v0 =	vld [tilespmem:s18+$0xFFFFFFC0];
	[tilespmem:s17+$0x820 ss:$0x41] =	vst.msk $0xffff, v6;
	s18 =	sadd.s32 $0x80, s18  }
0x4f: {  	s20 =	sadd.s32 $0x4, s20;
	v4 =	vld [tilespmem:s18+$0x30];
	[tilespmem:s17+$0xC30 ss:$0x41] =	vst.msk $0xffff, v7  }
.Ltmp4:
0x50: {  	_ = 	snop;
	(pc) =	sbr.rel .LBB1_4-.Ltmp4, $1  }
0x51: {  	_ =	sdelay $0x3  }
.LBB1_6:
0x52: {  	_ =	sfence.sel $0x180000  }
0x53: {  	s2 =	simm.s32 $0x1;
	[bflag:$0x0] =	sbarrier.arrive $0xFFFF  }
0x54: {  	s31 =	simm.s32 $0x2;
	[sflag:s2] =	ssyncpa.u1 $0x1  }
0x55: {  	[sflag:s31] =	ssyncpa.u1 $0x1  }
0x56: {  	p0 =	sne.s32 s0, $0x0;
	_ =	strace $0x9000004A  }
0x57: {  	s0 =	sadd.s32 @!p0 $0x100000, s1;
	[bflag:$0x2] =	sbarrier.arrive $0xFFFF  }
0x58: {  	[sflag:s0] =	ssyncadd.tile.s32 @!p0 $0x1;
	_ =	shalt  }
.Lfunc_end1:
_tile_overlayer_lowered:
.L_overlay_start_2:
0x59: {  	(tag) =	ssettag $0x2  }
0x5a: {  	s0 =	rddreg [dreg:$0x0];
	s2 =	stileid.u32  }
0x5b: {  	s1 =	rddreg [dreg:$0x1];
	p0 =	sne.s32 s2, $0x0  }
0x5c: {  	s3 =	rddreg [dreg:$0x2];
	[bflag:$0x3] =	sbarrier.arrive $0xFFFF;
	s2 =	simm.s32 @!p0 $0x1C01  }
0x5d: {  	[timem:s3], [sflag:s2] =	dma.local @!p0 [hbm:s0], s1  }
0x5e: {  	s0 =	simm.s32 @!p0 $0x1  }
0x5f: {  	_ =	swait.ge @!p0 [sflag:s0], s1  }
0x60: {  	s1 =	ssub.s32 @!p0 $0x0, s1;
	[sflag:s0] =	ssyncset.done @!p0 $0x0  }
0x61: {  	[sflag:s0] =	ssyncadd.s32 @!p0 s1  }
0x62: {  	[bflag:$0x3] =	sbarrier.arrive $0xFFFF  }
0x63: {  	_ =	shalt  }

</sc_bundles>
